<compile_context>
chip_gen: v7x
topology: tpu7x:2x2x1
jax: 0.10.2.dev20260603
libtpu: 0.0.44.dev20260713+nightly
codegen_flags: <defaults>
</compile_context>

<pallas_src>
import functools

import jax
import jax.numpy as jnp
from jax import lax
from jax.experimental import pallas as pl
from jax.experimental.pallas import tpu as pltpu
from jax.experimental.pallas import tpu_sc as plsc

H = 224
W = 224
N = 1024
P = H * W
ROWS = 32
NBLK = P // ROWS
CHUNK = ROWS * N
TOTAL = P * N

NUM_CORES = 2
NUM_SUBCORES = 16
NUM_WORKERS = NUM_CORES * NUM_SUBCORES
BLK_PER_W = NBLK // NUM_WORKERS


def _sampler_body(in_hbm, ids_hbm, out_hbm, in0, in1, si0, si1, so0, so1):
    wid = lax.axis_index("s") * NUM_CORES + lax.axis_index("c")
    b0 = wid * BLK_PER_W

    def gin(c, buf, sem):
        return pltpu.make_async_copy(
            in_hbm.at[pl.ds((b0 + c) * CHUNK, CHUNK)], buf, sem)

    def gout(c, buf, sem):
        return pltpu.make_async_copy(
            buf, out_hbm.at[pl.ds((b0 + c) * CHUNK, CHUNK)], sem)


    def process(c, ibuf, sin, sout):
        @pl.when(c >= 2)
        def _():
            gout(c - 2, ibuf, sout).wait()

        gout(c, ibuf, sout).start()

    def outer(t2, carry):
        process(2 * t2, in0, si0, so0)
        process(2 * t2 + 1, in1, si1, so1)
        return carry

    lax.fori_loop(0, BLK_PER_W // 2, outer, 0)
    process(BLK_PER_W - 1, in0, si0, so0)
    gout(BLK_PER_W - 2, in1, so1).wait()
    gout(BLK_PER_W - 1, in0, so0).wait()


@jax.jit
def _sampler(flat_in, ids):
    mesh = plsc.VectorSubcoreMesh(core_axis_name="c", subcore_axis_name="s")
    run = functools.partial(
        pl.kernel,
        out_type=jax.ShapeDtypeStruct((TOTAL,), jnp.float32),
        mesh=mesh,
        compiler_params=pltpu.CompilerParams(needs_layout_passes=False),
        scratch_types=[
            pltpu.VMEM((CHUNK,), jnp.float32),
            pltpu.VMEM((CHUNK,), jnp.float32),
            pltpu.SemaphoreType.DMA,
            pltpu.SemaphoreType.DMA,
            pltpu.SemaphoreType.DMA,
            pltpu.SemaphoreType.DMA,
        ],
    )(_sampler_body)
    return run(flat_in, ids)


def kernel(masks, rand_id):
    flat_in = jnp.transpose(masks, (1, 2, 3, 0)).reshape(TOTAL)
    ids = rand_id.astype(jnp.int32)
    out1d = _sampler(flat_in, ids)
    out5 = out1d.reshape(H, W // 8, 8, 8, 128)
    out = jnp.transpose(out5, (2, 4, 0, 1, 3)).reshape(N, H, W)
    return out[:, None, :, :]

# --- scband reference (transcript-rebuilt; emitter-appended) ---
"""Pipeline reference for scband-binary-mask-sampler-76544907149691 (READ-ONLY COPY).

The authoritative reference and input builder live on the scoring server;
editing this copy changes nothing except your own understanding.
"""

import jax, jax.numpy as jnp
import numpy as np

NUM_MASKS = 1024
H = 224
W = 224
C = 1
N = 1024

def setup_inputs(seed: int = 0) -> dict:
    key = jax.random.key(seed)
    k1, k2 = jax.random.split(key)
    # buffer registered at __init__ from training_dataset.all_masks (uint8 0..255 values)
    masks = jax.random.uniform(k1, (NUM_MASKS, H, W, C), dtype=jnp.float32) * 255.0
    # torch.randint(0, num_masks, (n,)) materialized as an input for determinism
    rand_id = jax.random.randint(k2, (N,), 0, NUM_MASKS)
    return {"masks": masks, "rand_id": rand_id}

def reference(masks, rand_id):
    # sample_binary_mask = self.binary_mask_param[rand_id, :]
    sample = jnp.take(masks, rand_id, axis=0)  # [N, H, W, C]
    # .permute(0, 3, 1, 2)
    sample = jnp.transpose(sample, (0, 3, 1, 2))  # [N, C, H, W]
    # / 255.0
    return sample / 255.0

if __name__ == "__main__":
    import jax
    _d = setup_inputs()
    print(jax.jit(kernel)(*tuple(_d.values())))

</pallas_src>

<mosaic_0001>
#map = affine_map<(d0, d1) -> (0)>
module attributes {stable_mosaic.version = 14 : i64} {
  func.func @_sampler_body(%arg0: i32, %arg1: i32, %arg2: memref<51380224xf32, #tpu.memory_space<hbm>>, %arg3: memref<1024xi32, #tpu.memory_space<hbm>>, %arg4: memref<51380224xf32, #tpu.memory_space<hbm>>, %arg5: memref<32768xf32, #tpu.memory_space<vmem>>, %arg6: memref<32768xf32, #tpu.memory_space<vmem>>, %arg7: memref<!tpu.dma_semaphore, #tpu.memory_space<semaphore_mem>>, %arg8: memref<!tpu.dma_semaphore, #tpu.memory_space<semaphore_mem>>, %arg9: memref<!tpu.dma_semaphore, #tpu.memory_space<semaphore_mem>>, %arg10: memref<!tpu.dma_semaphore, #tpu.memory_space<semaphore_mem>>) attributes {dimension_semantics = [#tpu.dimension_semantics<core_parallel>, #tpu.dimension_semantics<subcore_parallel>], iteration_bounds = array<i64: 2, 16>, scalar_prefetch = 0 : i64, scratch_operands = 6 : i64, tpu.core_type = #tpu.core_type<sc_vector_subcore>, window_params = [{transform_indices = #map}, {transform_indices = #map}, {transform_indices = #map}]} {
    %mul3A = arith.constant 2 : i32
    %mul3A_0 = arith.muli %arg1, %mul3A : i32
    %add3A = arith.addi %mul3A_0, %arg0 : i32
    %mul3A_1 = arith.constant 49 : i32
    %mul3A_2 = arith.muli %add3A, %mul3A_1 : i32
    %scan3A = arith.constant 0 : i32
    %scan3A_3 = arith.constant 0 : i32
    %scan3A_4 = arith.constant 24 : i32
    %scan3A_5 = arith.addi %scan3A_3, %scan3A_4 : i32
    %scan3A_6 = arith.constant 1 : i32
    scf.for %scan3A_30 = %scan3A_3 to %scan3A_5 step %scan3A_6  : i32 {
      %mul3A_31 = arith.constant 2 : i32
      %mul3A_32 = arith.muli %mul3A_31, %scan3A_30 : i32
      %ge3A = arith.constant 2 : i32
      %ge3A_33 = arith.cmpi sge, %mul3A_32, %ge3A : i32
      %convert_element_type3A = arith.extui %ge3A_33 : i1 to i32
      %cond3A = arith.constant 0 : i32
      %cond3A_34 = arith.cmpi ne, %convert_element_type3A, %cond3A : i32
      scf.if %cond3A_34 {
        %sub3A = arith.constant 2 : i32
        %sub3A_54 = arith.subi %mul3A_32, %sub3A : i32
        %add3A_55 = arith.addi %mul3A_2, %sub3A_54 : i32
        %mul3A_56 = arith.constant 32768 : i32
        %mul3A_57 = arith.muli %add3A_55, %mul3A_56 : i32
        %dma_wait3A_58 = tpu.memref_slice %arg4[%mul3A_57] : memref<51380224xf32, #tpu.memory_space<hbm>> -> memref<32768xf32, #tpu.memory_space<hbm>>
        %dma_wait3A_59 = tpu.memref_slice %arg4[%mul3A_57] : memref<51380224xf32, #tpu.memory_space<hbm>> -> memref<32768xf32, #tpu.memory_space<hbm>>
        tpu.wait_dma2 semaphore(%arg9 : memref<!tpu.dma_semaphore, #tpu.memory_space<semaphore_mem>>) src(%arg5 : memref<32768xf32, #tpu.memory_space<vmem>>) dst(%dma_wait3A_59 : memref<32768xf32, #tpu.memory_space<hbm>>)
      } else {
      }
      %add3A_35 = arith.addi %mul3A_2, %mul3A_32 : i32
      %mul3A_36 = arith.constant 32768 : i32
      %mul3A_37 = arith.muli %add3A_35, %mul3A_36 : i32
      %dma_start3A_38 = tpu.memref_slice %arg4[%mul3A_37] : memref<51380224xf32, #tpu.memory_space<hbm>> -> memref<32768xf32, #tpu.memory_space<hbm>>
      %dma_start3A_39 = tpu.memref_slice %arg4[%mul3A_37] : memref<51380224xf32, #tpu.memory_space<hbm>> -> memref<32768xf32, #tpu.memory_space<hbm>>
      tpu.enqueue_dma source(%arg5 : memref<32768xf32, #tpu.memory_space<vmem>>) target(%dma_start3A_39 : memref<32768xf32, #tpu.memory_space<hbm>>) target_semaphore(%arg9 : memref<!tpu.dma_semaphore, #tpu.memory_space<semaphore_mem>>)
      %mul3A_40 = arith.constant 2 : i32
      %mul3A_41 = arith.muli %mul3A_40, %scan3A_30 : i32
      %add3A_42 = arith.constant 1 : i32
      %add3A_43 = arith.addi %mul3A_41, %add3A_42 : i32
      %ge3A_44 = arith.constant 2 : i32
      %ge3A_45 = arith.cmpi sge, %add3A_43, %ge3A_44 : i32
      %convert_element_type3A_46 = arith.extui %ge3A_45 : i1 to i32
      %cond3A_47 = arith.constant 0 : i32
      %cond3A_48 = arith.cmpi ne, %convert_element_type3A_46, %cond3A_47 : i32
      scf.if %cond3A_48 {
        %sub3A = arith.constant 2 : i32
        %sub3A_54 = arith.subi %add3A_43, %sub3A : i32
        %add3A_55 = arith.addi %mul3A_2, %sub3A_54 : i32
        %mul3A_56 = arith.constant 32768 : i32
        %mul3A_57 = arith.muli %add3A_55, %mul3A_56 : i32
        %dma_wait3A_58 = tpu.memref_slice %arg4[%mul3A_57] : memref<51380224xf32, #tpu.memory_space<hbm>> -> memref<32768xf32, #tpu.memory_space<hbm>>
        %dma_wait3A_59 = tpu.memref_slice %arg4[%mul3A_57] : memref<51380224xf32, #tpu.memory_space<hbm>> -> memref<32768xf32, #tpu.memory_space<hbm>>
        tpu.wait_dma2 semaphore(%arg10 : memref<!tpu.dma_semaphore, #tpu.memory_space<semaphore_mem>>) src(%arg6 : memref<32768xf32, #tpu.memory_space<vmem>>) dst(%dma_wait3A_59 : memref<32768xf32, #tpu.memory_space<hbm>>)
      } else {
      }
      %add3A_49 = arith.addi %mul3A_2, %add3A_43 : i32
      %mul3A_50 = arith.constant 32768 : i32
      %mul3A_51 = arith.muli %add3A_49, %mul3A_50 : i32
      %dma_start3A_52 = tpu.memref_slice %arg4[%mul3A_51] : memref<51380224xf32, #tpu.memory_space<hbm>> -> memref<32768xf32, #tpu.memory_space<hbm>>
      %dma_start3A_53 = tpu.memref_slice %arg4[%mul3A_51] : memref<51380224xf32, #tpu.memory_space<hbm>> -> memref<32768xf32, #tpu.memory_space<hbm>>
      tpu.enqueue_dma source(%arg6 : memref<32768xf32, #tpu.memory_space<vmem>>) target(%dma_start3A_53 : memref<32768xf32, #tpu.memory_space<hbm>>) target_semaphore(%arg10 : memref<!tpu.dma_semaphore, #tpu.memory_space<semaphore_mem>>)
    }
    %scan3A_7 = arith.constant 24 : i32
    %add3A_8 = arith.constant 46 : i32
    %add3A_9 = arith.addi %mul3A_2, %add3A_8 : i32
    %mul3A_10 = arith.constant 32768 : i32
    %mul3A_11 = arith.muli %add3A_9, %mul3A_10 : i32
    %dma_wait3A = tpu.memref_slice %arg4[%mul3A_11] : memref<51380224xf32, #tpu.memory_space<hbm>> -> memref<32768xf32, #tpu.memory_space<hbm>>
    %dma_wait3A_12 = tpu.memref_slice %arg4[%mul3A_11] : memref<51380224xf32, #tpu.memory_space<hbm>> -> memref<32768xf32, #tpu.memory_space<hbm>>
    tpu.wait_dma2 semaphore(%arg9 : memref<!tpu.dma_semaphore, #tpu.memory_space<semaphore_mem>>) src(%arg5 : memref<32768xf32, #tpu.memory_space<vmem>>) dst(%dma_wait3A_12 : memref<32768xf32, #tpu.memory_space<hbm>>)
    %add3A_13 = arith.constant 48 : i32
    %add3A_14 = arith.addi %mul3A_2, %add3A_13 : i32
    %mul3A_15 = arith.constant 32768 : i32
    %mul3A_16 = arith.muli %add3A_14, %mul3A_15 : i32
    %dma_start3A = tpu.memref_slice %arg4[%mul3A_16] : memref<51380224xf32, #tpu.memory_space<hbm>> -> memref<32768xf32, #tpu.memory_space<hbm>>
    %dma_start3A_17 = tpu.memref_slice %arg4[%mul3A_16] : memref<51380224xf32, #tpu.memory_space<hbm>> -> memref<32768xf32, #tpu.memory_space<hbm>>
    tpu.enqueue_dma source(%arg5 : memref<32768xf32, #tpu.memory_space<vmem>>) target(%dma_start3A_17 : memref<32768xf32, #tpu.memory_space<hbm>>) target_semaphore(%arg9 : memref<!tpu.dma_semaphore, #tpu.memory_space<semaphore_mem>>)
    %add3A_18 = arith.constant 47 : i32
    %add3A_19 = arith.addi %mul3A_2, %add3A_18 : i32
    %mul3A_20 = arith.constant 32768 : i32
    %mul3A_21 = arith.muli %add3A_19, %mul3A_20 : i32
    %dma_wait3A_22 = tpu.memref_slice %arg4[%mul3A_21] : memref<51380224xf32, #tpu.memory_space<hbm>> -> memref<32768xf32, #tpu.memory_space<hbm>>
    %dma_wait3A_23 = tpu.memref_slice %arg4[%mul3A_21] : memref<51380224xf32, #tpu.memory_space<hbm>> -> memref<32768xf32, #tpu.memory_space<hbm>>
    tpu.wait_dma2 semaphore(%arg10 : memref<!tpu.dma_semaphore, #tpu.memory_space<semaphore_mem>>) src(%arg6 : memref<32768xf32, #tpu.memory_space<vmem>>) dst(%dma_wait3A_23 : memref<32768xf32, #tpu.memory_space<hbm>>)
    %add3A_24 = arith.constant 48 : i32
    %add3A_25 = arith.addi %mul3A_2, %add3A_24 : i32
    %mul3A_26 = arith.constant 32768 : i32
    %mul3A_27 = arith.muli %add3A_25, %mul3A_26 : i32
    %dma_wait3A_28 = tpu.memref_slice %arg4[%mul3A_27] : memref<51380224xf32, #tpu.memory_space<hbm>> -> memref<32768xf32, #tpu.memory_space<hbm>>
    %dma_wait3A_29 = tpu.memref_slice %arg4[%mul3A_27] : memref<51380224xf32, #tpu.memory_space<hbm>> -> memref<32768xf32, #tpu.memory_space<hbm>>
    tpu.wait_dma2 semaphore(%arg9 : memref<!tpu.dma_semaphore, #tpu.memory_space<semaphore_mem>>) src(%arg5 : memref<32768xf32, #tpu.memory_space<vmem>>) dst(%dma_wait3A_29 : memref<32768xf32, #tpu.memory_space<hbm>>)
    return
  }
}

</mosaic_0001>

<sc_bundles>
// kernel: _sampler.3.cloned.1.call-start
scs
__scs_entry_jumppad:
0x0: {  	(pc) =	sbr.rel $0x88, $3  }
0x1: {  	(tag) =	ssettag $0x0;
	lr =	simm.s32 $0x1  }
0x2: {  	[smem:$0x3F9F] =	sst lr;
	_ =	strace $0xD0000000  }
0x3: {  	_ = 	snop  }
0x4: {  	_ = 	snop  }
0x5: {  	_ = 	snop  }
0x6: {  	_ = 	snop  }
0x7: {  	_ = 	snop  }
__scs_overlays_trampoline_lowered:
0x8: {  	[smem:$0x3FAE] =	sst s0  }
0x9: {  	[smem:$0x3FAF] =	sst s1  }
0xa: {  	[smem:$0x3FB0] =	sst s2  }
0xb: {  	[smem:$0x3FB1] =	sst s3  }
0xc: {  	[smem:$0x3FB2] =	sst s4  }
0xd: {  	[smem:$0x3FB3] =	sst s5  }
0xe: {  	[smem:$0x3FB4] =	sst s6  }
0xf: {  	[smem:$0x3FB5] =	sst s7  }
0x10: {  	[smem:$0x3FB6] =	sst s8  }
0x11: {  	[smem:$0x3FB7] =	sst s9;
	s0 =	simm.s32 @!p0 $0x0  }
0x12: {  	s1 =	sld [smem:$0x3F9D];
	s0 =	simm.s32 @p0 $0x1  }
0x13: {  	[smem:$0x3FB8] =	sst s0;
	s0 =	simm.s32 @!p1 $0x0  }
0x14: {  	s2 =	sld [smem:$0x3F9C];
	s0 =	simm.s32 @p1 $0x1  }
0x15: {  	[smem:$0x3FB9] =	sst s0;
	s0 =	simm.s32 @!p2 $0x0  }
0x16: {  	s3 =	sld [smem:$0x3FDB];
	s0 =	simm.s32 @p2 $0x1  }
0x17: {  	s4 =	simm.s32 $0x1BF5;
	[smem:$0x3FBB] =	sst s0  }
0x18: {  	s0 =	sld [smem:$0x3F9E];
	_ =	swait.ge [sflag:s4], $0x0  }
0x19: {  	s7 =	sld [smem:$0x3F9F]  }
0x1a: {  	s8 =	sadd.s32 $0xFFFFE003, lr  }
0x1b: {  	s9 =	sadd.s32 $0xFFFFFEF7, lr;
	s5 =	simm.s32 $0xFFFFFFFF;
	p2 =	slt.u32 s8, $0xFFFFF086  }
0x1c: {  	p1 =	slt.u32 s9, $0xF7A;
	s5 =	simm.s32 @!p2 $0x0  }
0x1d: {  	s5 =	simm.s32 @p1 $0x1;
	p0 =	seq.s32 s7, s2  }
0x1e: {  	s7 =	smul.u32 @!p0 $0xF7A, s2;
	p2 =	seq.s32 @!p0 s5, $0x0  }
0x1f: {  	s9 =	smul.u32 $0xF7A, s1;
	s8 =	simm.s32 @!p0 $0x1BF5;
	p2 =	por !p2, p0  }
0x20: {  	[sflag:s8] =	ssyncset.s32 @!p0 $0xFFFFF086;
	s6 =	sadd.s32 @!p0 s3, s7;
	s7 =	simm.s32 @!p0 $0x108  }
0x21: {  	s3 =	sadd.s32 s3, s9;
	s6 =	sadd.s32 @!p0 $0x88, s6;
	s7 =	simm.s32 @p2 $0x1082  }
0x22: {  	[simem:s7], [sflag:s8] =	dma.local @!p0 [hbm:s6], $0xF7A  }
0x23: {  	s9 =	sor.u32 $0xD0000000, s2;
	s6 =	simm.s32 $0x108;
	_ =	swait.ge @!p0 [sflag:s8], $0x0  }
0x24: {  	s3 =	sadd.s32 $0x88, s3;
	s6 =	simm.s32 @!p1 $0x1082;
	[sflag:s4] =	ssyncset.s32 $0xFFFFF086  }
0x25: {  	[simem:s6], [sflag:s4] =	dma.local [hbm:s3], $0xF7A  }
0x26: {  	[smem:$0x3F9F] =	sst s1;
	(tag) =	ssettag s2;
	_ =	strace s9  }
0x27: {  	s1 =	sld [smem:$0x3FAF]  }
0x28: {  	s2 =	sld [smem:$0x3FB0]  }
0x29: {  	s4 =	sld [smem:$0x3FB2]  }
0x2a: {  	p0 =	seq.s32 s5, $0x0;
	s5 =	sld [smem:$0x3FB3]  }
0x2b: {  	s6 =	sld [smem:$0x3FB4]  }
0x2c: {  	s7 =	sld [smem:$0x3FB5]  }
0x2d: {  	s3 =	simm.s32 $0x108;
	s8 =	sld [smem:$0x3FB6]  }
0x2e: {  	s3 =	simm.s32 @!p0 $0x1082;
	s9 =	sld [smem:$0x3FB7]  }
0x2f: {  	lr =	sadd.s32 s0, s3;
	s0 =	sld [smem:$0x3FAE]  }
0x30: {  	s3 =	sld [smem:$0x3FB1]  }
0x31: {  	[smem:$0x3FBA] =	sst s10  }
0x32: {  	s10 =	sld [smem:$0x3FB8];
	_ =	sdelay $0x3  }
0x33: {  	p0 =	seq.s32 s10, $0x1;
	s10 =	sld [smem:$0x3FBA];
	_ =	sdelay $0x3  }
0x34: {  	[smem:$0x3FBA] =	sst s10  }
0x35: {  	s10 =	sld [smem:$0x3FB9];
	_ =	sdelay $0x3  }
0x36: {  	p1 =	seq.s32 s10, $0x1;
	s10 =	sld [smem:$0x3FBA];
	_ =	sdelay $0x3  }
0x37: {  	[smem:$0x3FBA] =	sst s10  }
0x38: {  	s10 =	sld [smem:$0x3FBB]  }
0x39: {  	_ = 	snop;
	(pc) =	sbr.ind lr, $3  }
0x3a: {  	_ = 	snop  }
0x3b: {  	_ = 	snop  }
0x3c: {  	p2 =	seq.s32 s10, $0x1;
	s10 =	sld [smem:$0x3FBA]  }
0x3d: {  	_ =	shalt  }
0x3e: {  	_ =	shalt  }
0x3f: {  	_ =	shalt  }
0x40: {  	_ =	shalt  }
0x41: {  	_ =	shalt  }
0x42: {  	_ =	shalt  }
0x43: {  	_ =	shalt  }
0x44: {  	_ =	shalt  }
0x45: {  	_ =	shalt  }
0x46: {  	_ =	shalt  }
0x47: {  	_ =	shalt  }
0x48: {  	_ =	shalt  }
0x49: {  	_ =	shalt  }
0x4a: {  	_ =	shalt  }
0x4b: {  	_ =	shalt  }
0x4c: {  	_ =	shalt  }
0x4d: {  	_ =	shalt  }
0x4e: {  	_ =	shalt  }
0x4f: {  	_ =	shalt  }
0x50: {  	_ =	shalt  }
0x51: {  	_ =	shalt  }
0x52: {  	_ =	shalt  }
0x53: {  	_ =	shalt  }
0x54: {  	_ =	shalt  }
0x55: {  	_ =	shalt  }
0x56: {  	_ =	shalt  }
0x57: {  	_ =	shalt  }
0x58: {  	_ =	shalt  }
0x59: {  	_ =	shalt  }
0x5a: {  	_ =	shalt  }
0x5b: {  	_ =	shalt  }
0x5c: {  	_ =	shalt  }
0x5d: {  	_ =	shalt  }
0x5e: {  	_ =	shalt  }
0x5f: {  	_ =	shalt  }
0x60: {  	_ =	shalt  }
0x61: {  	_ =	shalt  }
0x62: {  	_ =	shalt  }
0x63: {  	_ =	shalt  }
0x64: {  	_ =	shalt  }
0x65: {  	_ =	shalt  }
0x66: {  	_ =	shalt  }
0x67: {  	_ =	shalt  }
0x68: {  	_ =	shalt  }
0x69: {  	_ =	shalt  }
0x6a: {  	_ =	shalt  }
0x6b: {  	_ =	shalt  }
0x6c: {  	_ =	shalt  }
0x6d: {  	_ =	shalt  }
0x6e: {  	_ =	shalt  }
0x6f: {  	_ =	shalt  }
0x70: {  	_ =	shalt  }
0x71: {  	_ =	shalt  }
0x72: {  	_ =	shalt  }
0x73: {  	_ =	shalt  }
0x74: {  	_ =	shalt  }
0x75: {  	_ =	shalt  }
0x76: {  	_ =	shalt  }
0x77: {  	_ =	shalt  }
0x78: {  	_ =	shalt  }
0x79: {  	_ =	shalt  }
0x7a: {  	_ =	shalt  }
0x7b: {  	_ =	shalt  }
0x7c: {  	_ =	shalt  }
0x7d: {  	_ =	shalt  }
0x7e: {  	_ =	shalt  }
0x7f: {  	_ =	shalt  }
0x80: {  	_ =	shalt  }
0x81: {  	_ =	shalt  }
0x82: {  	_ =	shalt  }
0x83: {  	_ =	shalt  }
0x84: {  	_ =	shalt  }
0x85: {  	_ =	shalt  }
0x86: {  	_ =	shalt  }
0x87: {  	_ =	shalt  }
.Lfunc_end0:
.L_simem_size_0:
called_computation_lowered:
.L_overlay_start_0:
0x88: {  	s2 =	sld [smem:$0x3FD9]  }
0x89: {  	s3 =	sld [smem:$0x3FFE];
	_ =	sdelay $0x1  }
0x8a: {  	s1 =	srdreg.scid  }
0x8b: {  	s0 =	sand.u32 $0x1, s1  }
0x8c: {  	s18 =	sshll.u32 s0, $0xA;
	s2 =	sadd.s32 s3, s2  }
0x8d: {  	s2 =	sadd.s32 s2, s18  }
0x8e: {  	[smem:$0x3FC6] =	sst s2  }
0x8f: {  	_ = 	snop  }
0x90: {  	s2 =	sld [smem:$0x3FD0];
	(tm) =	ssettm $0x1  }
0x91: {  	s19 =	sld [smem:$0x3FFB];
	_ =	sdelay $0x3  }
0x92: {  	_ =	strace s19  }
0x93: {  	s3 =	sld [smem:$0x3FFC];
	_ =	sdelay $0x3  }
0x94: {  	_ =	strace s3  }
0x95: {  	s3 =	sld [smem:$0x3FFD];
	_ =	sdelay $0x3  }
0x96: {  	_ =	strace s3  }
0x97: {  	_ =	strace $0x8FFFFFFF  }
0x98: {  	s20 =	sld [smem:$0x3FDB];
	_ =	sdelay $0x1  }
0x99: {  	s4 =	simm.s32 $_scs_section_size  }
0x9a: {  	s5 =	simm.s32 $_size__tile_overlayer_lowered;
	s6 =	simm.s32 $_tile_overlayer_lowered  }
0x9b: {  	s23 =	simm.s32 $0x1BFF;
	s22 =	sshll.u32 s6, $0x1;
	s3 =	sadd.s32 s4, s20  }
0x9c: {  	s7 =	simm.s32 $0x0;
	s21 =	sshll.u32 s5, $0x1;
	s5 =	sadd.s32 s22, s3  }
0x9d: {  	[timem:s7], [sflag:s23] =	dma.local [hbm:s5], s21  }
0x9e: {  	_ =	swait.ge [sflag:s23], s21  }
0x9f: {  	s4 =	ssub.s32 $0x0, s21;
	[sflag:s23] =	ssyncset.done $0x0  }
0xa0: {  	[sflag:s23] =	ssyncadd.s32 s4;
	_ =	sdelay $0x1  }
0xa1: {  	s24 =	simm.s32 $0x1B8B  }
0xa2: {  	_ =	swait.ge [sflag:s24], $0x1  }
0xa3: {  	[sflag:s24] =	ssyncset.done $0x0  }
0xa4: {  	s25 =	simm.s32 $0x1B8E;
	[sflag:s24] =	ssyncadd.s32 $0xFFFFFFFF  }
0xa5: {  	s26 =	simm.s32 $execute0_lowered;
	[smem:$0x3FD2] =	sst s25  }
0xa6: {  	s4 =	sshll.u32 s26, $0x1;
	_ =	strace $0x80000046;
	[dreg:$0x1] =	wrdreg $0xFFFFFFFF  }
0xa7: {  	s28 =	simm.s32 $_size_execute0_lowered;
	s3 =	sadd.s32 s3, s4;
	[dreg:$0x0] =	wrdreg $0x0  }
0xa8: {  	s4 =	sshll.u32 s28, $0x1;
	[dreg:$0x2] =	wrdreg s3  }
0xa9: {  	[dreg:$0x3] =	wrdreg s4  }
0xaa: {  	[dreg:$0x4] =	wrdreg $0xC0  }
0xab: {  	_ =	task [dreg:s7], $0x5FFFF  }
0xac: {  	[dreg:$0x1] =	wrdreg $0xFFFFFFFF  }
0xad: {  	[dreg:$0x0] =	wrdreg $0x60  }
0xae: {  	[dreg:$0x2] =	wrdreg s2  }
0xaf: {  	[dreg:$0x3] =	wrdreg $0x9  }
0xb0: {  	_ =	task.clear_ibuf [dreg:s7], $0x4FFFF;
	_ =	strace $0x90000046  }
0xb1: {  	s29 =	simm.s32 $0x9;
	_ =	strace $0x80000048  }
0xb2: {  	_ =	swait.ge [sflag:s29], $0x1  }
0xb3: {  	[sflag:s29] =	ssyncadd.s32 $0xFFFFFFFF  }
0xb4: {  	_ =	strace $0x90000048  }
0xb5: {  	_ =	sfence  }
0xb6: {  	s30 =	sld [smem:$0x0];
	_ =	sdelay $0x2  }
0xb7: {  	s31 =	sshll.u32 s1, $0xD;
	s1 =	sshrl.u32 s1, $0x2  }
0xb8: {  	s3 =	sand.u32 $0x4000, s31;
	s1 =	sadd.s32 s1, s30  }
0xb9: {  	s0 =	sor.u32 s3, s0;
	s1 =	sshll.u32 s1, $0x11  }
0xba: {  	s0 =	sor.u32 s1, s0  }
0xbb: {  	s0 =	sadd.s32 $0x8F2B, s0  }
0xbc: {  	[sflag:s0] =	ssyncadd.remote.s32 $0x1  }
0xbd: {  	_ =	sfence.sel $0xFFFF  }
0xbe: {  	[dreg:$0x0] =	wrdreg $0xFFFFFFFF;
	(pc) =	sbr.abs _section_cstart, $3  }
0xbf: {  	[dreg:$0x1] =	wrdreg $0xFFFFFFFF  }
0xc0: {  	_ =	task.clear_ibuf [dreg:s7], $0x2FFFF;
	_ =	strace $0x9FFFFFFF  }
0xc1: {  	(tm) =	ssettm $0x7FFFFFFF  }
tec
execute0_lowered:
.L_overlay_start_1:
0x0: {  	(tag) =	ssettag $0x1  }
0x1: {  	s0 =	stileid.u32  }
0x2: {  	s1 =	srdreg.scid;
	s8 =	smul.u32 $0x62, s0  }
0x3: {  	s7 =	rddreg [dreg:$0x0];
	s5 =	sand.u32 $0x1, s1;
	s11 =	smul.u32 $0x62000, s0  }
0x4: {  	s2 =	simm.s32 $0x0;
	s3 =	sshll.u32 s0, $0x1;
	s10 =	smul.u32 $0x31, s5  }
0x5: {  	s1 =	rddreg [dreg:$0x1];
	s3 =	sor.u32 s5, s3;
	s29 =	smul.u32 $0x31000, s5  }
0x6: {  	s12 =	simm.s32 $0x0;
	[smem:$0x7FF] =	sst s2;
	s4 =	smul.u32 $0x188000, s3  }
0x7: {  	_ =	strace $0x80000047;
	s28 =	ssub.s32 $0x2, s5;
	s6 =	smul.u32 $0x31000, s3  }
0x8: {  	s9 =	sshrl.u32 s28, $0x1;
	s30 =	sadd.s32 s11, s7;
	s11 =	simm.s32 $0x2  }
0x9: {  	s9 =	ssub.s32 s28, s9;
	s8 =	sadd.s32 s10, s8;
	s31 =	sadd.s32 s29, s30  }
0xa: {  	s10 =	simm.s32 $0x1;
	s4 =	sshrl.u32 s4, $0x3;
	s5 =	sadd.s32 s7, s6  }
0xb: {  	s8 =	sshll.u32 s8, $0xC;
	s4 =	sadd.s32 s7, s4;
	s6 =	sadd.s32 $0x1000, s5  }
0xc: {  	s7 =	sadd.s32 s7, s8;
	s8 =	sadd.s32 $0x2000, s31;
	s3 =	sadd.s32 $0x30000, s4  }
0xd: {  	s4 =	smax.u32 s9, $0x1;
	s7 =	sadd.s32 $0x3000, s7;
	s9 =	simm.s32 $0x8000  }
.LBB2_1:
0xe: {  	[hbm4b:s5+s2] =	stream.linear.scatter [tilespmem:s2], [sflag:$0x1], $0x8000, $0x38;
	[tilespmem:$0x10000] =	vst v63  }
0xf: {  	_ = 	snop  }
0x10: {  	[hbm4b:s6+s2] =	stream.linear.scatter [tilespmem:s9], [sflag:$0x2], $0x8000, $0x38;
	[tilespmem:$0x10000] =	vst v63  }
0x11: {  	_ =	swait.ge [sflag:s10], $0x8000  }
0x12: {  	[sflag:s10] =	ssyncset.done $0x0  }
0x13: {  	s13 =	sadd.s32 $0x0, s8;
	[sflag:s10] =	ssyncadd.s32 $0xFFFF8000  }
0x14: {  	[hbm4b:s13+s2] =	stream.linear.scatter [tilespmem:s2], [sflag:$0x1], $0x8000, $0x38;
	[tilespmem:$0x10000] =	vst v63  }
0x15: {  	_ =	swait.ge [sflag:s11], $0x8000  }
0x16: {  	[sflag:s11] =	ssyncset.done $0x0  }
0x17: {  	s14 =	sadd.s32 $0x0, s7;
	s13 =	simm.s32 $0x2000;
	[sflag:s11] =	ssyncadd.s32 $0xFFFF8000  }
.LBB2_2:
0x18: {  	[hbm4b:s14+s2] =	stream.linear.scatter [tilespmem:s9], [sflag:$0x2], $0x8000, $0x38;
	[tilespmem:$0x10000] =	vst v63  }
0x19: {  	s14 =	smov.u32 s13  }
0x1a: {  	p0 =	sne.s32 s13, $0x2C000;
	s13 =	sadd.s32 $0x2000, s13;
	_ =	swait.ge [sflag:s10], $0x8000  }
0x1b: {  	[sflag:s10] =	ssyncset.done $0x0  }
.Ltmp0:
0x1c: {  	s15 =	sadd.s32 s14, s8;
	[sflag:s10] =	ssyncadd.s32 $0xFFFF8000;
	(pc) =	sbr.rel @p0 .LBB2_2-.Ltmp0, $4  }
0x1d: {  	[hbm4b:s15+s2] =	stream.linear.scatter [tilespmem:s2], [sflag:$0x1], $0x8000, $0x38;
	[tilespmem:$0x10000] =	vst v63  }
0x1e: {  	_ =	swait.ge [sflag:s11], $0x8000  }
0x1f: {  	[sflag:s11] =	ssyncset.done $0x0  }
0x20: {  	s14 =	sadd.s32 s14, s7;
	[sflag:s11] =	ssyncadd.s32 $0xFFFF8000  }
0x21: {  	[hbm4b:s14+s2] =	stream.linear.scatter [tilespmem:s9], [sflag:$0x2], $0x8000, $0x38;
	[tilespmem:$0x10000] =	vst v63  }
0x22: {  	_ =	swait.ge [sflag:s10], $0x8000  }
0x23: {  	[sflag:s10] =	ssyncset.done $0x0  }
0x24: {  	s12 =	sadd.s32 $0x1, s12;
	[sflag:s10] =	ssyncadd.s32 $0xFFFF8000  }
0x25: {  	[hbm4b:s3+s2] =	stream.linear.scatter [tilespmem:s2], [sflag:$0x1], $0x8000, $0x38;
	[tilespmem:$0x10000] =	vst v63  }
0x26: {  	p0 =	sne.s32 s12, s4;
	_ =	swait.ge [sflag:s11], $0x8000  }
.Ltmp1:
0x27: {  	[sflag:s11] =	ssyncset.done $0x0;
	(pc) =	sbr.rel @p0 .LBB2_1-.Ltmp1, $4  }
0x28: {  	[sflag:s11] =	ssyncadd.s32 $0xFFFF8000  }
0x29: {  	_ =	swait.ge [sflag:s10], $0x8000  }
0x2a: {  	[sflag:s10] =	ssyncset.done $0x0  }
0x2b: {  	[sflag:s10] =	ssyncadd.s32 $0xFFFF8000  }
0x2c: {  	_ =	sfence.sel $0x180000  }
0x2d: {  	[bflag:$0x0] =	sbarrier.arrive $0xFFFF  }
0x2e: {  	p0 =	sne.s32 s0, $0x0;
	_ =	strace $0x90000047  }
0x2f: {  	s0 =	sadd.s32 @!p0 $0x100000, s1;
	[bflag:$0x2] =	sbarrier.arrive $0xFFFF  }
0x30: {  	[sflag:s0] =	ssyncadd.tile.s32 @!p0 $0x1;
	_ =	shalt  }
.Lfunc_end2:
_tile_overlayer_lowered:
.L_overlay_start_2:
0x31: {  	(tag) =	ssettag $0x2  }
0x32: {  	s0 =	rddreg [dreg:$0x0];
	s2 =	stileid.u32  }
0x33: {  	s1 =	rddreg [dreg:$0x1];
	p0 =	sne.s32 s2, $0x0  }
0x34: {  	s3 =	rddreg [dreg:$0x2];
	[bflag:$0x3] =	sbarrier.arrive $0xFFFF;
	s2 =	simm.s32 @!p0 $0x1C03  }
0x35: {  	[timem:s3], [sflag:s2] =	dma.local @!p0 [hbm:s0], s1  }
0x36: {  	s0 =	simm.s32 @!p0 $0x3  }
0x37: {  	_ =	swait.ge @!p0 [sflag:s0], s1  }
0x38: {  	s1 =	ssub.s32 @!p0 $0x0, s1;
	[sflag:s0] =	ssyncset.done @!p0 $0x0  }
0x39: {  	[sflag:s0] =	ssyncadd.s32 @!p0 s1  }
0x3a: {  	[bflag:$0x3] =	sbarrier.arrive $0xFFFF  }
0x3b: {  	_ =	shalt  }

</sc_bundles>
